<compile_context>
chip_gen: v7x
topology: tpu7x:2x2x1
jax: 0.10.2.dev20260603
libtpu: 0.0.44.dev20260713+nightly
codegen_flags: <defaults>
</compile_context>

<pallas_src>
import functools
import math

import jax
import jax.numpy as jnp
from jax import lax
from jax.experimental import pallas as pl
from jax.experimental.pallas import tpu as pltpu
from jax.experimental.pallas import tpu_sc as plsc

_B = 4096
_C = 1000
_CP = 1024
_D = 128
_F = 512
_M = 0.99
_LN_M = math.log(_M)
_BM = 1024
_WB = 1024
_WAUG = 128
_RPAD = 1024
_NEG = -1e30


def _heads_body(x_ref, wc_ref, bc_ref, wp_ref, bp_ref, pt_ref,
                out_ref, lbl_ref, q_ref, score_ref):
    x = x_ref[...]
    o = jnp.dot(x, wc_ref[...], preferred_element_type=jnp.float32) + bc_ref[...]
    out_ref[...] = o
    cols = lax.broadcasted_iota(jnp.int32, o.shape, 1)
    mx = jnp.max(o, axis=1, keepdims=True)
    lbl_ref[...] = jnp.min(jnp.where(o == mx, cols, jnp.int32(1 << 30)),
                           axis=1, keepdims=True)
    qu = jnp.dot(x, wp_ref[...], preferred_element_type=jnp.float32) + bp_ref[...]
    nrm = jnp.sqrt(jnp.sum(qu * qu, axis=1, keepdims=True))
    q = qu / (nrm + 1e-12)
    q_ref[...] = q
    lp = lax.dot_general(q, pt_ref[...], (((1,), (1,)), ((), ())),
                         preferred_element_type=jnp.float32)
    smx = jnp.max(lp, axis=1, keepdims=True)
    ex = jnp.exp(lp - smx)
    score_ref[...] = ex / jnp.sum(ex, axis=1, keepdims=True)


def _heads(img_q, wc, bc, wp, bp, pt):
    grid = (_B // _BM,)
    return pl.pallas_call(
        _heads_body,
        grid=grid,
        in_specs=[
            pl.BlockSpec((_BM, _F), lambda i: (i, 0)),
            pl.BlockSpec((_F, _C), lambda i: (0, 0)),
            pl.BlockSpec((1, _C), lambda i: (0, 0)),
            pl.BlockSpec((_F, _D), lambda i: (0, 0)),
            pl.BlockSpec((1, _D), lambda i: (0, 0)),
            pl.BlockSpec((_C, _D), lambda i: (0, 0)),
        ],
        out_specs=[
            pl.BlockSpec((_BM, _C), lambda i: (i, 0)),
            pl.BlockSpec((_BM, 1), lambda i: (i, 0)),
            pl.BlockSpec((_BM, _D), lambda i: (i, 0)),
            pl.BlockSpec((_BM, _C), lambda i: (i, 0)),
        ],
        out_shape=[
            jax.ShapeDtypeStruct((_B, _C), jnp.float32),
            jax.ShapeDtypeStruct((_B, 1), jnp.int32),
            jax.ShapeDtypeStruct((_B, _D), jnp.float32),
            jax.ShapeDtypeStruct((_B, _C), jnp.float32),
        ],
    )(img_q, wc, bc, wp, bp, pt)


def _weights_body(lblc_ref, lblr_ref, q_ref, qaug_ref, e_ref):
    i = pl.program_id(0)
    k = pl.program_id(1)
    nk = pl.num_programs(1)

    @pl.when(k == 0)
    def _():
        e_ref[...] = jnp.zeros_like(e_ref)

    @pl.when(k >= i)
    def _():
        li = lblc_ref[...].astype(jnp.int16)
        lj = lblr_ref[...].astype(jnp.int16)
        eq = li == lj
        col = (k * _WB + lax.broadcasted_iota(jnp.int32, (_WB, _WB), 1)
               ).astype(jnp.int16)
        row = (i * _WB + lax.broadcasted_iota(jnp.int32, (_WB, _WB), 0)
               ).astype(jnp.int16)
        later = col > row
        cnt = jnp.where(eq & later, jnp.int16(1), jnp.int16(0))
        e_ref[...] += jnp.sum(cnt, axis=1, keepdims=True, dtype=jnp.int32)

    @pl.when(k == nk - 1)
    def _():
        e = e_ref[...].astype(jnp.float32)
        w = (1.0 - _M) * jnp.exp(e * _LN_M)
        qaug_ref[...] = q_ref[...] * w


def _weights(lbl_col, lbl_row, q):
    grid = (_B // _WB, _B // _WB)
    return pl.pallas_call(
        _weights_body,
        grid=grid,
        in_specs=[
            pl.BlockSpec((_WB, 1), lambda i, k: (i, 0)),
            pl.BlockSpec((1, _WB), lambda i, k: (0, k)),
            pl.BlockSpec((_WB, _D), lambda i, k: (i, 0)),
        ],
        out_specs=pl.BlockSpec((_WB, _WAUG), lambda i, k: (i, 0)),
        out_shape=jax.ShapeDtypeStruct((_B, _WAUG), jnp.float32),
        scratch_shapes=[pltpu.VMEM((_WB, 1), jnp.int32)],
    )(lbl_col, lbl_row, q)


_RPT = _RPAD // 16
_SPT = _B // 32


@functools.lru_cache(maxsize=None)
def _make_sc_scatter():
    mesh = plsc.VectorSubcoreMesh(core_axis_name="c", subcore_axis_name="s")

    @functools.partial(
        pl.kernel,
        out_type=jax.ShapeDtypeStruct((2 * _RPAD, _WAUG), jnp.float32),
        mesh=mesh,
        scratch_types=[
            pltpu.VMEM((_SPT,), jnp.int32),
            pltpu.VMEM((_SPT, _WAUG), jnp.float32),
            pltpu.VMEM((_RPT, _WAUG), jnp.float32),
            pltpu.VMEM_SHARED((_RPAD, _WAUG), jnp.float32),
            pltpu.SemaphoreType.DMA,
            pltpu.SemaphoreType.DMA,
        ],
    )
    def sc_scatter(lbl_hbm, qaug_hbm, zero_hbm, out_hbm, idx_v, rows_v, z_v,
                   acc_sh, sem_i, sem_r):
        c = lax.axis_index("c")
        s = lax.axis_index("s")
        base = c * (_B // 2) + s * _SPT
        cp_i = pltpu.async_copy(lbl_hbm.at[pl.ds(base, _SPT)], idx_v, sem_i)
        cp_r = pltpu.async_copy(qaug_hbm.at[pl.ds(base, _SPT)], rows_v, sem_r)
        pltpu.sync_copy(zero_hbm.at[pl.ds(s * _RPT, _RPT)], z_v)
        pltpu.sync_copy(z_v, acc_sh.at[pl.ds(s * _RPT, _RPT)])
        plsc.subcore_barrier()
        cp_i.wait()
        cp_r.wait()
        pltpu.sync_copy(rows_v, acc_sh.at[idx_v], add=True)
        plsc.subcore_barrier()
        pltpu.sync_copy(acc_sh.at[pl.ds(s * _RPT, _RPT)],
                        out_hbm.at[pl.ds(c * _RPAD + s * _RPT, _RPT)])

    return sc_scatter


_CB = 128


def _combine_body(p0_ref, p1_ref, lblr_ref, p_ref, out_ref):
    i = pl.program_id(0)
    acc = p0_ref[...] + p1_ref[...]
    cvals = i * _CB + lax.broadcasted_iota(jnp.int32, (_CB, _B), 0)
    cnt = jnp.sum(jnp.where(cvals == lblr_ref[...], 1.0, 0.0),
                  axis=1, keepdims=True)
    decay = jnp.exp(cnt * _LN_M)
    newp = p_ref[...] * decay + acc
    nrm = jnp.sqrt(jnp.sum(newp * newp, axis=1, keepdims=True))
    out_ref[...] = newp / (nrm + 1e-12)


def _combine(part, lbl_row, ppad):
    grid = (_RPAD // _CB,)
    nblk = _RPAD // _CB
    return pl.pallas_call(
        _combine_body,
        grid=grid,
        in_specs=[
            pl.BlockSpec((_CB, _D), lambda i: (i, 0)),
            pl.BlockSpec((_CB, _D), lambda i: (i + nblk, 0)),
            pl.BlockSpec((1, _B), lambda i: (0, 0)),
            pl.BlockSpec((_CB, _D), lambda i: (i, 0)),
        ],
        out_specs=pl.BlockSpec((_CB, _D), lambda i: (i, 0)),
        out_shape=jax.ShapeDtypeStruct((_RPAD, _D), jnp.float32),
    )(part, part, lbl_row, ppad)


def kernel(img_q, W_cls, b_cls, W_proj, b_proj, prototypes):
    bc = b_cls.reshape(1, _C)
    bp = b_proj.reshape(1, _D)

    output, lbl, q, score_prot = _heads(img_q, W_cls, bc, W_proj, bp,
                                        prototypes)

    qaug = _weights(lbl, lbl.reshape(1, _B), q)

    zeros_block = jnp.zeros((_RPAD, _WAUG), jnp.float32)
    part = _make_sc_scatter()(lbl.reshape(_B), qaug, zeros_block)

    ppad = jnp.pad(prototypes, ((0, _RPAD - _C), (0, 0)))
    new_prototypes = _combine(part, lbl.reshape(1, _B), ppad)[:_C]

    return (output, score_prot, new_prototypes)

# --- scband reference (transcript-rebuilt; emitter-appended) ---
"""Pipeline reference for scband-pi-co-86595130622457 (READ-ONLY COPY).

The authoritative reference and input builder live on the scoring server;
editing this copy changes nothing except your own understanding.
"""

import jax, jax.numpy as jnp
import numpy as np

NUM_CLASS = 1000
LOW_DIM = 128
IN_FEAT = 512
BATCH = 4096
PROTO_M = 0.99


def _l2norm(x, axis=-1):
    return x / (jnp.linalg.norm(x, axis=axis, keepdims=True) + 1e-12)


def setup_inputs(seed: int = 0) -> dict:
    key = jax.random.key(seed)
    k1, k2, k3, k4 = jax.random.split(key, 4)
    img_q = jax.random.normal(k1, (BATCH, IN_FEAT), dtype=jnp.float32)
    # encoder_q stub: classification head + low-dim projection head (resnet trunk
    # replaced by precomputed 512-d features; heads are the learned params)
    W_cls = jax.random.normal(k2, (IN_FEAT, NUM_CLASS), dtype=jnp.float32) * 0.02
    b_cls = jnp.zeros((NUM_CLASS,), dtype=jnp.float32)
    W_proj = jax.random.normal(k3, (IN_FEAT, LOW_DIM), dtype=jnp.float32) * 0.02
    b_proj = jnp.zeros((LOW_DIM,), dtype=jnp.float32)
    # prototypes buffer [num_class, low_dim], unit-normalized (avoid 0-div on first normalize)
    prototypes = jax.random.normal(k4, (NUM_CLASS, LOW_DIM), dtype=jnp.float32)
    prototypes = _l2norm(prototypes, axis=1)
    return {"img_q": img_q, "W_cls": W_cls, "b_cls": b_cls,
            "W_proj": W_proj, "b_proj": b_proj, "prototypes": prototypes}


def reference(img_q, W_cls, b_cls, W_proj, b_proj, prototypes):
    # encoder_q(img_q) -> (output logits, q embedding)
    output = img_q @ W_cls + b_cls
    q = _l2norm(img_q @ W_proj + b_proj, axis=1)

    predicted_scores = jax.nn.softmax(output, axis=1)
    pseudo_labels = jnp.argmax(predicted_scores, axis=1)

    # prototypes.clone().detach()
    protos_detached = jax.lax.stop_gradient(prototypes)
    logits_prot = q @ protos_detached.T
    score_prot = jax.lax.stop_gradient(jax.nn.softmax(logits_prot, axis=1))

    # momentum prototype update: sequential per-sample scatter-overwrite
    # (concat_all_gather == identity on a single device)
    q_g = jax.lax.stop_gradient(q)

    def body(i, protos):
        lbl = pseudo_labels[i]
        row = protos[lbl] * PROTO_M + (1.0 - PROTO_M) * q_g[i]
        return protos.at[lbl].set(row)

    new_prototypes = jax.lax.fori_loop(0, q_g.shape[0], body, prototypes)
    new_prototypes = _l2norm(new_prototypes, axis=1)

    # torch returns (output, score_prot) and mutates self.prototypes; we also
    # return the updated buffer so the scatter update stays live.
    return (output, score_prot, new_prototypes)

if __name__ == "__main__":
    import jax
    _d = setup_inputs()
    print(jax.jit(kernel)(*tuple(_d.values())))

</pallas_src>

<mosaic_0001>
#map = affine_map<(d0, d1) -> (0)>
#map1 = affine_map<(d0, d1) -> (0, 0)>
module attributes {stable_mosaic.version = 14 : i64} {
  func.func @sc_scatter(%arg0: i32, %arg1: i32, %arg2: memref<4096xi32, #tpu.memory_space<hbm>>, %arg3: memref<4096x128xf32, #tpu.memory_space<hbm>>, %arg4: memref<1024x128xf32, #tpu.memory_space<hbm>>, %arg5: memref<2048x128xf32, #tpu.memory_space<hbm>>, %arg6: memref<128xi32, #tpu.memory_space<vmem>>, %arg7: memref<128x128xf32, #tpu.memory_space<vmem>>, %arg8: memref<64x128xf32, #tpu.memory_space<vmem>>, %arg9: memref<1024x128xf32, #tpu.memory_space<vmem_shared>>, %arg10: memref<!tpu.dma_semaphore, #tpu.memory_space<semaphore_mem>>, %arg11: memref<!tpu.dma_semaphore, #tpu.memory_space<semaphore_mem>>) attributes {dimension_semantics = [#tpu.dimension_semantics<core_parallel>, #tpu.dimension_semantics<subcore_parallel>], iteration_bounds = array<i64: 2, 16>, scalar_prefetch = 0 : i64, scratch_operands = 6 : i64, tpu.core_type = #tpu.core_type<sc_vector_subcore>, window_params = [{transform_indices = #map}, {transform_indices = #map1}, {transform_indices = #map1}, {transform_indices = #map1}]} {
    %mul3A = arith.constant 2048 : i32
    %mul3A_0 = arith.muli %arg0, %mul3A : i32
    %mul3A_1 = arith.constant 128 : i32
    %mul3A_2 = arith.muli %arg1, %mul3A_1 : i32
    %add3A = arith.addi %mul3A_0, %mul3A_2 : i32
    %dma_start3A = tpu.memref_slice %arg2[%add3A] : memref<4096xi32, #tpu.memory_space<hbm>> -> memref<128xi32, #tpu.memory_space<hbm>>
    %dma_start3A_3 = tpu.memref_slice %arg2[%add3A] : memref<4096xi32, #tpu.memory_space<hbm>> -> memref<128xi32, #tpu.memory_space<hbm>>
    tpu.enqueue_dma source(%dma_start3A_3 : memref<128xi32, #tpu.memory_space<hbm>>) target(%arg6 : memref<128xi32, #tpu.memory_space<vmem>>) target_semaphore(%arg10 : memref<!tpu.dma_semaphore, #tpu.memory_space<semaphore_mem>>)
    %dma_start3A_4 = arith.constant 0 : i32
    %dma_start3A_5 = tpu.memref_slice %arg3[%add3A, %dma_start3A_4] : memref<4096x128xf32, #tpu.memory_space<hbm>> -> memref<128x128xf32, #tpu.memory_space<hbm>>
    %dma_start3A_6 = arith.constant 0 : i32
    %dma_start3A_7 = tpu.memref_slice %arg3[%add3A, %dma_start3A_6] : memref<4096x128xf32, #tpu.memory_space<hbm>> -> memref<128x128xf32, #tpu.memory_space<hbm>>
    tpu.enqueue_dma source(%dma_start3A_7 : memref<128x128xf32, #tpu.memory_space<hbm>>) target(%arg7 : memref<128x128xf32, #tpu.memory_space<vmem>>) target_semaphore(%arg11 : memref<!tpu.dma_semaphore, #tpu.memory_space<semaphore_mem>>)
    %mul3A_8 = arith.constant 64 : i32
    %mul3A_9 = arith.muli %arg1, %mul3A_8 : i32
    "tpu.region"() ({
      %run_scoped3A = tpu.sem_alloc : memref<!tpu.dma_semaphore, #tpu.memory_space<semaphore_mem>>
      %dma_start3A_25 = arith.constant 0 : i32
      %dma_start3A_26 = tpu.memref_slice %arg4[%mul3A_9, %dma_start3A_25] : memref<1024x128xf32, #tpu.memory_space<hbm>> -> memref<64x128xf32, #tpu.memory_space<hbm>>
      %dma_start3A_27 = arith.constant 0 : i32
      %dma_start3A_28 = tpu.memref_slice %arg4[%mul3A_9, %dma_start3A_27] : memref<1024x128xf32, #tpu.memory_space<hbm>> -> memref<64x128xf32, #tpu.memory_space<hbm>>
      tpu.enqueue_dma source(%dma_start3A_28 : memref<64x128xf32, #tpu.memory_space<hbm>>) target(%arg8 : memref<64x128xf32, #tpu.memory_space<vmem>>) target_semaphore(%run_scoped3A : memref<!tpu.dma_semaphore, #tpu.memory_space<semaphore_mem>>)
      %dma_wait3A_29 = arith.constant 0 : i32
      %dma_wait3A_30 = tpu.memref_slice %arg4[%mul3A_9, %dma_wait3A_29] : memref<1024x128xf32, #tpu.memory_space<hbm>> -> memref<64x128xf32, #tpu.memory_space<hbm>>
      %dma_wait3A_31 = arith.constant 0 : i32
      %dma_wait3A_32 = tpu.memref_slice %arg4[%mul3A_9, %dma_wait3A_31] : memref<1024x128xf32, #tpu.memory_space<hbm>> -> memref<64x128xf32, #tpu.memory_space<hbm>>
      tpu.wait_dma2 semaphore(%run_scoped3A : memref<!tpu.dma_semaphore, #tpu.memory_space<semaphore_mem>>) src(%dma_wait3A_32 : memref<64x128xf32, #tpu.memory_space<hbm>>) dst(%arg8 : memref<64x128xf32, #tpu.memory_space<vmem>>)
      tpu.yield
    }) : () -> ()
    %mul3A_10 = arith.constant 64 : i32
    %mul3A_11 = arith.muli %arg1, %mul3A_10 : i32
    "tpu.region"() ({
      %run_scoped3A = tpu.sem_alloc : memref<!tpu.dma_semaphore, #tpu.memory_space<semaphore_mem>>
      %dma_start3A_25 = arith.constant 0 : i32
      %dma_start3A_26 = tpu.memref_slice %arg9[%mul3A_11, %dma_start3A_25] : memref<1024x128xf32, #tpu.memory_space<vmem_shared>> -> memref<64x128xf32, #tpu.memory_space<vmem_shared>>
      %dma_start3A_27 = arith.constant 0 : i32
      %dma_start3A_28 = tpu.memref_slice %arg9[%mul3A_11, %dma_start3A_27] : memref<1024x128xf32, #tpu.memory_space<vmem_shared>> -> memref<64x128xf32, #tpu.memory_space<vmem_shared>>
      tpu.enqueue_dma source(%arg8 : memref<64x128xf32, #tpu.memory_space<vmem>>) target(%dma_start3A_28 : memref<64x128xf32, #tpu.memory_space<vmem_shared>>) target_semaphore(%run_scoped3A : memref<!tpu.dma_semaphore, #tpu.memory_space<semaphore_mem>>)
      %dma_wait3A_29 = arith.constant 0 : i32
      %dma_wait3A_30 = tpu.memref_slice %arg9[%mul3A_11, %dma_wait3A_29] : memref<1024x128xf32, #tpu.memory_space<vmem_shared>> -> memref<64x128xf32, #tpu.memory_space<vmem_shared>>
      %dma_wait3A_31 = arith.constant 0 : i32
      %dma_wait3A_32 = tpu.memref_slice %arg9[%mul3A_11, %dma_wait3A_31] : memref<1024x128xf32, #tpu.memory_space<vmem_shared>> -> memref<64x128xf32, #tpu.memory_space<vmem_shared>>
      tpu.wait_dma2 semaphore(%run_scoped3A : memref<!tpu.dma_semaphore, #tpu.memory_space<semaphore_mem>>) src(%arg8 : memref<64x128xf32, #tpu.memory_space<vmem>>) dst(%dma_wait3A_32 : memref<64x128xf32, #tpu.memory_space<vmem_shared>>)
      tpu.yield
    }) : () -> ()
    %barrier3A = arith.constant 0 : index
    tpu.barrier barrier_id(%barrier3A)
    %dma_wait3A = tpu.memref_slice %arg2[%add3A] : memref<4096xi32, #tpu.memory_space<hbm>> -> memref<128xi32, #tpu.memory_space<hbm>>
    %dma_wait3A_12 = tpu.memref_slice %arg2[%add3A] : memref<4096xi32, #tpu.memory_space<hbm>> -> memref<128xi32, #tpu.memory_space<hbm>>
    tpu.wait_dma2 semaphore(%arg10 : memref<!tpu.dma_semaphore, #tpu.memory_space<semaphore_mem>>) src(%dma_wait3A_12 : memref<128xi32, #tpu.memory_space<hbm>>) dst(%arg6 : memref<128xi32, #tpu.memory_space<vmem>>)
    %dma_wait3A_13 = arith.constant 0 : i32
    %dma_wait3A_14 = tpu.memref_slice %arg3[%add3A, %dma_wait3A_13] : memref<4096x128xf32, #tpu.memory_space<hbm>> -> memref<128x128xf32, #tpu.memory_space<hbm>>
    %dma_wait3A_15 = arith.constant 0 : i32
    %dma_wait3A_16 = tpu.memref_slice %arg3[%add3A, %dma_wait3A_15] : memref<4096x128xf32, #tpu.memory_space<hbm>> -> memref<128x128xf32, #tpu.memory_space<hbm>>
    tpu.wait_dma2 semaphore(%arg11 : memref<!tpu.dma_semaphore, #tpu.memory_space<semaphore_mem>>) src(%dma_wait3A_16 : memref<128x128xf32, #tpu.memory_space<hbm>>) dst(%arg7 : memref<128x128xf32, #tpu.memory_space<vmem>>)
    "tpu.region"() ({
      %run_scoped3A = tpu.sem_alloc : memref<!tpu.dma_semaphore, #tpu.memory_space<semaphore_mem>>
      %dma_start3A_25 = arith.constant 0 : i32
      %dma_start3A_26 = arith.constant 0 : i32
      %dma_start3A_27 = tpu.memref_slice %arg9[%dma_start3A_25, %dma_start3A_26] : memref<1024x128xf32, #tpu.memory_space<vmem_shared>> -> memref<1024x128xf32, #tpu.memory_space<vmem_shared>>
      tpu.enqueue_indirect_dma source(%arg7 : memref<128x128xf32, #tpu.memory_space<vmem>>) target(%dma_start3A_27 : memref<1024x128xf32, #tpu.memory_space<vmem_shared>>) offsets(%arg6 : memref<128xi32, #tpu.memory_space<vmem>>) semaphore(%run_scoped3A : memref<!tpu.dma_semaphore, #tpu.memory_space<semaphore_mem>>) {add = true}
      %dma_wait3A_28 = arith.constant 0 : i32
      %dma_wait3A_29 = arith.constant 0 : i32
      %dma_wait3A_30 = tpu.memref_slice %arg9[%dma_wait3A_28, %dma_wait3A_29] : memref<1024x128xf32, #tpu.memory_space<vmem_shared>> -> memref<1024x128xf32, #tpu.memory_space<vmem_shared>>
      tpu.wait_indirect_dma semaphore(%run_scoped3A : memref<!tpu.dma_semaphore, #tpu.memory_space<semaphore_mem>>) src(%arg7 : memref<128x128xf32, #tpu.memory_space<vmem>>) dst(%dma_wait3A_30 : memref<1024x128xf32, #tpu.memory_space<vmem_shared>>)
      tpu.yield
    }) : () -> ()
    %barrier3A_17 = arith.constant 0 : index
    tpu.barrier barrier_id(%barrier3A_17)
    %mul3A_18 = arith.constant 64 : i32
    %mul3A_19 = arith.muli %arg1, %mul3A_18 : i32
    %mul3A_20 = arith.constant 1024 : i32
    %mul3A_21 = arith.muli %arg0, %mul3A_20 : i32
    %mul3A_22 = arith.constant 64 : i32
    %mul3A_23 = arith.muli %arg1, %mul3A_22 : i32
    %add3A_24 = arith.addi %mul3A_21, %mul3A_23 : i32
    "tpu.region"() ({
      %run_scoped3A = tpu.sem_alloc : memref<!tpu.dma_semaphore, #tpu.memory_space<semaphore_mem>>
      %dma_start3A_25 = arith.constant 0 : i32
      %dma_start3A_26 = tpu.memref_slice %arg5[%add3A_24, %dma_start3A_25] : memref<2048x128xf32, #tpu.memory_space<hbm>> -> memref<64x128xf32, #tpu.memory_space<hbm>>
      %dma_start3A_27 = arith.constant 0 : i32
      %dma_start3A_28 = tpu.memref_slice %arg9[%mul3A_19, %dma_start3A_27] : memref<1024x128xf32, #tpu.memory_space<vmem_shared>> -> memref<64x128xf32, #tpu.memory_space<vmem_shared>>
      tpu.enqueue_dma source(%dma_start3A_28 : memref<64x128xf32, #tpu.memory_space<vmem_shared>>) target(%dma_start3A_26 : memref<64x128xf32, #tpu.memory_space<hbm>>) target_semaphore(%run_scoped3A : memref<!tpu.dma_semaphore, #tpu.memory_space<semaphore_mem>>)
      %dma_wait3A_29 = arith.constant 0 : i32
      %dma_wait3A_30 = tpu.memref_slice %arg5[%add3A_24, %dma_wait3A_29] : memref<2048x128xf32, #tpu.memory_space<hbm>> -> memref<64x128xf32, #tpu.memory_space<hbm>>
      %dma_wait3A_31 = arith.constant 0 : i32
      %dma_wait3A_32 = tpu.memref_slice %arg9[%mul3A_19, %dma_wait3A_31] : memref<1024x128xf32, #tpu.memory_space<vmem_shared>> -> memref<64x128xf32, #tpu.memory_space<vmem_shared>>
      tpu.wait_dma2 semaphore(%run_scoped3A : memref<!tpu.dma_semaphore, #tpu.memory_space<semaphore_mem>>) src(%dma_wait3A_32 : memref<64x128xf32, #tpu.memory_space<vmem_shared>>) dst(%dma_wait3A_30 : memref<64x128xf32, #tpu.memory_space<hbm>>)
      tpu.yield
    }) : () -> ()
    return
  }
}

module attributes {stable_mosaic.version = 14 : i64} {
  func.func @_weights_body(%arg0: i32, %arg1: i32, %arg2: memref<1024x1xi32, #tpu.memory_space<vmem>>, %arg3: memref<1x1024xi32, #tpu.memory_space<vmem>>, %arg4: memref<1024x128xf32, #tpu.memory_space<vmem>>, %arg5: memref<1024x128xf32, #tpu.memory_space<vmem>>, %arg6: memref<1024x1xi32, #tpu.memory_space<vmem>>) attributes {dimension_semantics = [#tpu.dimension_semantics<arbitrary>, #tpu.dimension_semantics<arbitrary>], iteration_bounds = array<i64: 4, 4>, scalar_prefetch = 0 : i64, scratch_operands = 1 : i64, tpu.core_type = #tpu.core_type<tc>, window_params = [{transform_indices = @transform_0, window_bounds = array<i64: 1024, 1>}, {transform_indices = @transform_1, window_bounds = array<i64: 1, 1024>}, {transform_indices = @transform_2, window_bounds = array<i64: 1024, 128>}, {transform_indices = @transform_3, window_bounds = array<i64: 1024, 128>}]} {
    %eq3A = arith.constant 0 : i32
    %eq3A_0 = arith.cmpi eq, %arg1, %eq3A : i32
    %convert_element_type3A = arith.extui %eq3A_0 : i1 to i32
    %cond3A = arith.constant 0 : i32
    %cond3A_1 = arith.cmpi ne, %convert_element_type3A, %cond3A : i32
    scf.if %cond3A_1 {
      %broadcast_in_dim3A = arith.constant 0 : i32
      %broadcast_in_dim3A_10 = vector.broadcast %broadcast_in_dim3A : i32 to vector<1024x1xi32>
      %swap3A = arith.constant 0 : index
      %swap3A_11 = arith.constant 0 : index
      %swap3A_12 = vector.load %arg6[%swap3A, %swap3A_11] : memref<1024x1xi32, #tpu.memory_space<vmem>>, vector<1024x1xi32>
      tpu.vector_store %arg6[%swap3A, %swap3A_11], %broadcast_in_dim3A_10 {strides = array<i32>} : memref<1024x1xi32, #tpu.memory_space<vmem>>, vector<1024x1xi32>,
    } else {
    }
    %ge3A = arith.cmpi sge, %arg1, %arg0 : i32
    %convert_element_type3A_2 = arith.extui %ge3A : i1 to i32
    %cond3A_3 = arith.constant 0 : i32
    %cond3A_4 = arith.cmpi ne, %convert_element_type3A_2, %cond3A_3 : i32
    scf.if %cond3A_4 {
      %get3A = arith.constant 0 : index
      %get3A_10 = arith.constant 0 : index
      %get3A_11 = vector.load %arg2[%get3A, %get3A_10] : memref<1024x1xi32, #tpu.memory_space<vmem>>, vector<1024x1xi32>
      %convert_element_type3A_12 = arith.trunci %get3A_11 : vector<1024x1xi32> to vector<1024x1xi16>
      %get3A_13 = arith.constant 0 : index
      %get3A_14 = arith.constant 0 : index
      %get3A_15 = vector.load %arg3[%get3A_13, %get3A_14] : memref<1x1024xi32, #tpu.memory_space<vmem>>, vector<1x1024xi32>
      %convert_element_type3A_16 = arith.trunci %get3A_15 : vector<1x1024xi32> to vector<1x1024xi16>
      %eq3A_17 = vector.broadcast %convert_element_type3A_12 : vector<1024x1xi16> to vector<1024x1024xi16>
      %eq3A_18 = vector.broadcast %convert_element_type3A_16 : vector<1x1024xi16> to vector<1024x1024xi16>
      %eq3A_19 = arith.cmpi eq, %eq3A_17, %eq3A_18 : vector<1024x1024xi16>
      %mul3A = arith.constant 1024 : i32
      %mul3A_20 = arith.muli %arg1, %mul3A : i32
      %iota3A = tpu.iota {dimensions = array<i32: 1>} : vector<1024x1024xi32>
      %add3A = vector.broadcast %mul3A_20 : i32 to vector<1024x1024xi32>
      %add3A_21 = arith.addi %add3A, %iota3A : vector<1024x1024xi32>
      %convert_element_type3A_22 = arith.trunci %add3A_21 : vector<1024x1024xi32> to vector<1024x1024xi16>
      %mul3A_23 = arith.constant 1024 : i32
      %mul3A_24 = arith.muli %arg0, %mul3A_23 : i32
      %iota3A_25 = tpu.iota {dimensions = array<i32: 0>} : vector<1024x1024xi32>
      %add3A_26 = vector.broadcast %mul3A_24 : i32 to vector<1024x1024xi32>
      %add3A_27 = arith.addi %add3A_26, %iota3A_25 : vector<1024x1024xi32>
      %convert_element_type3A_28 = arith.trunci %add3A_27 : vector<1024x1024xi32> to vector<1024x1024xi16>
      %gt3A = arith.cmpi sgt, %convert_element_type3A_22, %convert_element_type3A_28 : vector<1024x1024xi16>
      %and3A = arith.andi %eq3A_19, %gt3A : vector<1024x1024xi1>
      %jit3A = arith.constant 1 : i16
      %jit3A_29 = arith.constant 0 : i16
      %broadcast_in_dim3A = vector.broadcast %jit3A : i16 to vector<1024x1024xi16>
      %broadcast_in_dim3A_30 = vector.broadcast %jit3A_29 : i16 to vector<1024x1024xi16>
      %select_n3A = arith.select %and3A, %broadcast_in_dim3A, %broadcast_in_dim3A_30 : vector<1024x1024xi1>, vector<1024x1024xi16>
      %get3A_31 = arith.constant 0 : index
      %get3A_32 = arith.constant 0 : index
      %get3A_33 = vector.load %arg6[%get3A_31, %get3A_32] : memref<1024x1xi32, #tpu.memory_space<vmem>>, vector<1024x1xi32>
      %convert_element_type3A_34 = arith.extsi %select_n3A : vector<1024x1024xi16> to vector<1024x1024xi32>
      %reduce_sum3A = arith.constant dense<0> : vector<1024xi32>
      %reduce_sum3A_35 = vector.multi_reduction <add>, %convert_element_type3A_34, %reduce_sum3A [1] : vector<1024x1024xi32> to vector<1024xi32>
      %broadcast_in_dim3A_36 = vector.shape_cast %reduce_sum3A_35 : vector<1024xi32> to vector<1024x1xi32>
      %add3A_37 = arith.addi %get3A_33, %broadcast_in_dim3A_36 : vector<1024x1xi32>
      %swap3A = arith.constant 0 : index
      %swap3A_38 = arith.constant 0 : index
      %swap3A_39 = vector.load %arg6[%swap3A, %swap3A_38] : memref<1024x1xi32, #tpu.memory_space<vmem>>, vector<1024x1xi32>
      tpu.vector_store %arg6[%swap3A, %swap3A_38], %add3A_37 {strides = array<i32>} : memref<1024x1xi32, #tpu.memory_space<vmem>>, vector<1024x1xi32>,
    } else {
    }
    %eq3A_5 = arith.constant 3 : i32
    %eq3A_6 = arith.cmpi eq, %arg1, %eq3A_5 : i32
    %convert_element_type3A_7 = arith.extui %eq3A_6 : i1 to i32
    %cond3A_8 = arith.constant 0 : i32
    %cond3A_9 = arith.cmpi ne, %convert_element_type3A_7, %cond3A_8 : i32
    scf.if %cond3A_9 {
      %get3A = arith.constant 0 : index
      %get3A_10 = arith.constant 0 : index
      %get3A_11 = vector.load %arg6[%get3A, %get3A_10] : memref<1024x1xi32, #tpu.memory_space<vmem>>, vector<1024x1xi32>
      %convert_element_type3A_12 = arith.sitofp %get3A_11 : vector<1024x1xi32> to vector<1024x1xf32>
      %mul3A = arith.constant -0.0100503359 : f32
      %mul3A_13 = vector.broadcast %mul3A : f32 to vector<1024x1xf32>
      %mul3A_14 = arith.mulf %convert_element_type3A_12, %mul3A_13 : vector<1024x1xf32>
      %exp3A = math.exp %mul3A_14 : vector<1024x1xf32>
      %mul3A_15 = arith.constant 0.00999999977 : f32
      %mul3A_16 = vector.broadcast %mul3A_15 : f32 to vector<1024x1xf32>
      %mul3A_17 = arith.mulf %mul3A_16, %exp3A : vector<1024x1xf32>
      %get3A_18 = arith.constant 0 : index
      %get3A_19 = arith.constant 0 : index
      %get3A_20 = vector.load %arg4[%get3A_18, %get3A_19] : memref<1024x128xf32, #tpu.memory_space<vmem>>, vector<1024x128xf32>
      %mul3A_21 = vector.broadcast %mul3A_17 : vector<1024x1xf32> to vector<1024x128xf32>
      %mul3A_22 = arith.mulf %get3A_20, %mul3A_21 : vector<1024x128xf32>
      %swap3A = arith.constant 0 : index
      %swap3A_23 = arith.constant 0 : index
      %swap3A_24 = vector.load %arg5[%swap3A, %swap3A_23] : memref<1024x128xf32, #tpu.memory_space<vmem>>, vector<1024x128xf32>
      tpu.vector_store %arg5[%swap3A, %swap3A_23], %mul3A_22 {strides = array<i32>} : memref<1024x128xf32, #tpu.memory_space<vmem>>, vector<1024x128xf32>,
    } else {
    }
    return
  }
  func.func @transform_0(%arg0: i32, %arg1: i32) -> (i32, i32) {
    %c0_i32 = arith.constant 0 : i32
    %c0_i32_0 = arith.constant 0 : i32
    return %arg0, %c0_i32 : i32, i32
  }
  func.func @transform_1(%arg0: i32, %arg1: i32) -> (i32, i32) {
    %c0_i32 = arith.constant 0 : i32
    %c0_i32_0 = arith.constant 0 : i32
    return %c0_i32, %arg1 : i32, i32
  }
  func.func @transform_2(%arg0: i32, %arg1: i32) -> (i32, i32) {
    %c0_i32 = arith.constant 0 : i32
    %c0_i32_0 = arith.constant 0 : i32
    return %arg0, %c0_i32 : i32, i32
  }
  func.func @transform_3(%arg0: i32, %arg1: i32) -> (i32, i32) {
    %c0_i32 = arith.constant 0 : i32
    %c0_i32_0 = arith.constant 0 : i32
    return %arg0, %c0_i32 : i32, i32
  }
}

module attributes {stable_mosaic.version = 14 : i64} {
  func.func @_heads_body(%arg0: i32, %arg1: memref<1024x512xf32, #tpu.memory_space<vmem>>, %arg2: memref<512x1000xf32, #tpu.memory_space<vmem>>, %arg3: memref<1x1000xf32, #tpu.memory_space<vmem>>, %arg4: memref<512x128xf32, #tpu.memory_space<vmem>>, %arg5: memref<1x128xf32, #tpu.memory_space<vmem>>, %arg6: memref<1000x128xf32, #tpu.memory_space<vmem>>, %arg7: memref<1024x1000xf32, #tpu.memory_space<vmem>>, %arg8: memref<1024x1xi32, #tpu.memory_space<vmem>>, %arg9: memref<1024x128xf32, #tpu.memory_space<vmem>>, %arg10: memref<1024x1000xf32, #tpu.memory_space<vmem>>) attributes {dimension_semantics = [#tpu.dimension_semantics<arbitrary>], iteration_bounds = array<i64: 4>, scalar_prefetch = 0 : i64, scratch_operands = 0 : i64, tpu.core_type = #tpu.core_type<tc>, window_params = [{transform_indices = @transform_0, window_bounds = array<i64: 1024, 512>}, {pipeline_mode = #tpu.pipeline_mode<synchronous>, transform_indices = @transform_1, window_bounds = array<i64: 512, 1000>}, {pipeline_mode = #tpu.pipeline_mode<synchronous>, transform_indices = @transform_2, window_bounds = array<i64: 1, 1000>}, {pipeline_mode = #tpu.pipeline_mode<synchronous>, transform_indices = @transform_3, window_bounds = array<i64: 512, 128>}, {pipeline_mode = #tpu.pipeline_mode<synchronous>, transform_indices = @transform_4, window_bounds = array<i64: 1, 128>}, {pipeline_mode = #tpu.pipeline_mode<synchronous>, transform_indices = @transform_5, window_bounds = array<i64: 1000, 128>}, {transform_indices = @transform_6, window_bounds = array<i64: 1024, 1000>}, {transform_indices = @transform_7, window_bounds = array<i64: 1024, 1>}, {transform_indices = @transform_8, window_bounds = array<i64: 1024, 128>}, {transform_indices = @transform_9, window_bounds = array<i64: 1024, 1000>}]} {
    %get3A = arith.constant 0 : index
    %get3A_0 = arith.constant 0 : index
    %get3A_1 = vector.load %arg1[%get3A, %get3A_0] : memref<1024x512xf32, #tpu.memory_space<vmem>>, vector<1024x512xf32>
    %get3A_2 = arith.constant 0 : index
    %get3A_3 = arith.constant 0 : index
    %get3A_4 = vector.load %arg2[%get3A_2, %get3A_3] : memref<512x1000xf32, #tpu.memory_space<vmem>>, vector<512x1000xf32>
    %dot_general3A = arith.constant dense<0.000000e+00> : vector<1024x1000xf32>
    %dot_general3A_5 = tpu.matmul %get3A_1, %get3A_4, %dot_general3A {dimension_numbers = #tpu.dot_dimension_numbers<[1], [0], [0], [1], [0, 0, 1, 1], [], []>, transpose_lhs_hint = false} : vector<1024x512xf32>, vector<512x1000xf32>, vector<1024x1000xf32> -> vector<1024x1000xf32>
    %get3A_6 = arith.constant 0 : index
    %get3A_7 = arith.constant 0 : index
    %get3A_8 = vector.load %arg3[%get3A_6, %get3A_7] : memref<1x1000xf32, #tpu.memory_space<vmem>>, vector<1x1000xf32>
    %add3A = vector.broadcast %get3A_8 : vector<1x1000xf32> to vector<1024x1000xf32>
    %add3A_9 = arith.addf %dot_general3A_5, %add3A : vector<1024x1000xf32>
    %swap3A = arith.constant 0 : index
    %swap3A_10 = arith.constant 0 : index
    %swap3A_11 = vector.load %arg7[%swap3A, %swap3A_10] : memref<1024x1000xf32, #tpu.memory_space<vmem>>, vector<1024x1000xf32>
    tpu.vector_store %arg7[%swap3A, %swap3A_10], %add3A_9 {strides = array<i32>} : memref<1024x1000xf32, #tpu.memory_space<vmem>>, vector<1024x1000xf32>,
    %iota3A = tpu.iota {dimensions = array<i32: 1>} : vector<1024x1000xi32>
    %reduce_max3A = arith.constant dense<0xFF800000> : vector<1024xf32>
    %reduce_max3A_12 = vector.multi_reduction <maximumf>, %add3A_9, %reduce_max3A [1] : vector<1024x1000xf32> to vector<1024xf32>
    %broadcast_in_dim3A = vector.shape_cast %reduce_max3A_12 : vector<1024xf32> to vector<1024x1xf32>
    %eq3A = vector.broadcast %broadcast_in_dim3A : vector<1024x1xf32> to vector<1024x1000xf32>
    %eq3A_13 = arith.cmpf oeq, %add3A_9, %eq3A : vector<1024x1000xf32>
    %jit3A = arith.constant 1073741824 : i32
    %broadcast_in_dim3A_14 = vector.broadcast %jit3A : i32 to vector<1024x1000xi32>
    %select_n3A = arith.select %eq3A_13, %iota3A, %broadcast_in_dim3A_14 : vector<1024x1000xi1>, vector<1024x1000xi32>
    %reduce_min3A = arith.constant dense<2147483647> : vector<1024xi32>
    %reduce_min3A_15 = vector.multi_reduction <minsi>, %select_n3A, %reduce_min3A [1] : vector<1024x1000xi32> to vector<1024xi32>
    %broadcast_in_dim3A_16 = vector.shape_cast %reduce_min3A_15 : vector<1024xi32> to vector<1024x1xi32>
    %swap3A_17 = arith.constant 0 : index
    %swap3A_18 = arith.constant 0 : index
    %swap3A_19 = vector.load %arg8[%swap3A_17, %swap3A_18] : memref<1024x1xi32, #tpu.memory_space<vmem>>, vector<1024x1xi32>
    tpu.vector_store %arg8[%swap3A_17, %swap3A_18], %broadcast_in_dim3A_16 {strides = array<i32>} : memref<1024x1xi32, #tpu.memory_space<vmem>>, vector<1024x1xi32>,
    %get3A_20 = arith.constant 0 : index
    %get3A_21 = arith.constant 0 : index
    %get3A_22 = vector.load %arg4[%get3A_20, %get3A_21] : memref<512x128xf32, #tpu.memory_space<vmem>>, vector<512x128xf32>
    %dot_general3A_23 = arith.constant dense<0.000000e+00> : vector<1024x128xf32>
    %dot_general3A_24 = tpu.matmul %get3A_1, %get3A_22, %dot_general3A_23 {dimension_numbers = #tpu.dot_dimension_numbers<[1], [0], [0], [1], [0, 0, 1, 1], [], []>, transpose_lhs_hint = false} : vector<1024x512xf32>, vector<512x128xf32>, vector<1024x128xf32> -> vector<1024x128xf32>
    %get3A_25 = arith.constant 0 : index
    %get3A_26 = arith.constant 0 : index
    %get3A_27 = vector.load %arg5[%get3A_25, %get3A_26] : memref<1x128xf32, #tpu.memory_space<vmem>>, vector<1x128xf32>
    %add3A_28 = vector.broadcast %get3A_27 : vector<1x128xf32> to vector<1024x128xf32>
    %add3A_29 = arith.addf %dot_general3A_24, %add3A_28 : vector<1024x128xf32>
    %mul3A = arith.mulf %add3A_29, %add3A_29 : vector<1024x128xf32>
    %reduce_sum3A = arith.constant dense<0.000000e+00> : vector<1024xf32>
    %reduce_sum3A_30 = vector.multi_reduction <add>, %mul3A, %reduce_sum3A [1] : vector<1024x128xf32> to vector<1024xf32>
    %broadcast_in_dim3A_31 = vector.shape_cast %reduce_sum3A_30 : vector<1024xf32> to vector<1024x1xf32>
    %sqrt3A = math.sqrt %broadcast_in_dim3A_31 : vector<1024x1xf32>
    %add3A_32 = arith.constant 9.99999996E-13 : f32
    %add3A_33 = vector.broadcast %add3A_32 : f32 to vector<1024x1xf32>
    %add3A_34 = arith.addf %sqrt3A, %add3A_33 : vector<1024x1xf32>
    %div3A = vector.broadcast %add3A_34 : vector<1024x1xf32> to vector<1024x128xf32>
    %div3A_35 = arith.divf %add3A_29, %div3A : vector<1024x128xf32>
    %swap3A_36 = arith.constant 0 : index
    %swap3A_37 = arith.constant 0 : index
    %swap3A_38 = vector.load %arg9[%swap3A_36, %swap3A_37] : memref<1024x128xf32, #tpu.memory_space<vmem>>, vector<1024x128xf32>
    tpu.vector_store %arg9[%swap3A_36, %swap3A_37], %div3A_35 {strides = array<i32>} : memref<1024x128xf32, #tpu.memory_space<vmem>>, vector<1024x128xf32>,
    %get3A_39 = arith.constant 0 : index
    %get3A_40 = arith.constant 0 : index
    %get3A_41 = vector.load %arg6[%get3A_39, %get3A_40] : memref<1000x128xf32, #tpu.memory_space<vmem>>, vector<1000x128xf32>
    %dot_general3A_42 = arith.constant dense<0.000000e+00> : vector<1024x1000xf32>
    %dot_general3A_43 = tpu.matmul %div3A_35, %get3A_41, %dot_general3A_42 {dimension_numbers = #tpu.dot_dimension_numbers<[1], [1], [0], [0], [0, 0, 1, 0], [], []>, transpose_lhs_hint = false} : vector<1024x128xf32>, vector<1000x128xf32>, vector<1024x1000xf32> -> vector<1024x1000xf32>
    %reduce_max3A_44 = arith.constant dense<0xFF800000> : vector<1024xf32>
    %reduce_max3A_45 = vector.multi_reduction <maximumf>, %dot_general3A_43, %reduce_max3A_44 [1] : vector<1024x1000xf32> to vector<1024xf32>
    %broadcast_in_dim3A_46 = vector.shape_cast %reduce_max3A_45 : vector<1024xf32> to vector<1024x1xf32>
    %sub3A = vector.broadcast %broadcast_in_dim3A_46 : vector<1024x1xf32> to vector<1024x1000xf32>
    %sub3A_47 = arith.subf %dot_general3A_43, %sub3A : vector<1024x1000xf32>
    %exp3A = math.exp %sub3A_47 : vector<1024x1000xf32>
    %reduce_sum3A_48 = arith.constant dense<0.000000e+00> : vector<1024xf32>
    %reduce_sum3A_49 = vector.multi_reduction <add>, %exp3A, %reduce_sum3A_48 [1] : vector<1024x1000xf32> to vector<1024xf32>
    %broadcast_in_dim3A_50 = vector.shape_cast %reduce_sum3A_49 : vector<1024xf32> to vector<1024x1xf32>
    %div3A_51 = vector.broadcast %broadcast_in_dim3A_50 : vector<1024x1xf32> to vector<1024x1000xf32>
    %div3A_52 = arith.divf %exp3A, %div3A_51 : vector<1024x1000xf32>
    %swap3A_53 = arith.constant 0 : index
    %swap3A_54 = arith.constant 0 : index
    %swap3A_55 = vector.load %arg10[%swap3A_53, %swap3A_54] : memref<1024x1000xf32, #tpu.memory_space<vmem>>, vector<1024x1000xf32>
    tpu.vector_store %arg10[%swap3A_53, %swap3A_54], %div3A_52 {strides = array<i32>} : memref<1024x1000xf32, #tpu.memory_space<vmem>>, vector<1024x1000xf32>,
    return
  }
  func.func @transform_0(%arg0: i32) -> (i32, i32) {
    %c0_i32 = arith.constant 0 : i32
    %c0_i32_0 = arith.constant 0 : i32
    return %arg0, %c0_i32 : i32, i32
  }
  func.func @transform_1(%arg0: i32) -> (i32, i32) {
    %c0_i32 = arith.constant 0 : i32
    %c0_i32_0 = arith.constant 0 : i32
    %c0_i32_1 = arith.constant 0 : i32
    return %c0_i32, %c0_i32_0 : i32, i32
  }
  func.func @transform_2(%arg0: i32) -> (i32, i32) {
    %c0_i32 = arith.constant 0 : i32
    %c0_i32_0 = arith.constant 0 : i32
    %c0_i32_1 = arith.constant 0 : i32
    return %c0_i32, %c0_i32_0 : i32, i32
  }
  func.func @transform_3(%arg0: i32) -> (i32, i32) {
    %c0_i32 = arith.constant 0 : i32
    %c0_i32_0 = arith.constant 0 : i32
    %c0_i32_1 = arith.constant 0 : i32
    return %c0_i32, %c0_i32_0 : i32, i32
  }
  func.func @transform_4(%arg0: i32) -> (i32, i32) {
    %c0_i32 = arith.constant 0 : i32
    %c0_i32_0 = arith.constant 0 : i32
    %c0_i32_1 = arith.constant 0 : i32
    return %c0_i32, %c0_i32_0 : i32, i32
  }
  func.func @transform_5(%arg0: i32) -> (i32, i32) {
    %c0_i32 = arith.constant 0 : i32
    %c0_i32_0 = arith.constant 0 : i32
    %c0_i32_1 = arith.constant 0 : i32
    return %c0_i32, %c0_i32_0 : i32, i32
  }
  func.func @transform_6(%arg0: i32) -> (i32, i32) {
    %c0_i32 = arith.constant 0 : i32
    %c0_i32_0 = arith.constant 0 : i32
    return %arg0, %c0_i32 : i32, i32
  }
  func.func @transform_7(%arg0: i32) -> (i32, i32) {
    %c0_i32 = arith.constant 0 : i32
    %c0_i32_0 = arith.constant 0 : i32
    return %arg0, %c0_i32 : i32, i32
  }
  func.func @transform_8(%arg0: i32) -> (i32, i32) {
    %c0_i32 = arith.constant 0 : i32
    %c0_i32_0 = arith.constant 0 : i32
    return %arg0, %c0_i32 : i32, i32
  }
  func.func @transform_9(%arg0: i32) -> (i32, i32) {
    %c0_i32 = arith.constant 0 : i32
    %c0_i32_0 = arith.constant 0 : i32
    return %arg0, %c0_i32 : i32, i32
  }
}

module attributes {stable_mosaic.version = 14 : i64} {
  func.func @_combine_body(%arg0: i32, %arg1: memref<128x128xf32, #tpu.memory_space<vmem>>, %arg2: memref<128x128xf32, #tpu.memory_space<vmem>>, %arg3: memref<1x4096xi32, #tpu.memory_space<vmem>>, %arg4: memref<128x128xf32, #tpu.memory_space<vmem>>, %arg5: memref<128x128xf32, #tpu.memory_space<vmem>>) attributes {dimension_semantics = [#tpu.dimension_semantics<arbitrary>], iteration_bounds = array<i64: 8>, scalar_prefetch = 0 : i64, scratch_operands = 0 : i64, tpu.core_type = #tpu.core_type<tc>, window_params = [{transform_indices = @transform_0, window_bounds = array<i64: 128, 128>}, {transform_indices = @transform_1, window_bounds = array<i64: 128, 128>}, {pipeline_mode = #tpu.pipeline_mode<synchronous>, transform_indices = @transform_2, window_bounds = array<i64: 1, 4096>}, {transform_indices = @transform_3, window_bounds = array<i64: 128, 128>}, {transform_indices = @transform_4, window_bounds = array<i64: 128, 128>}]} {
    %get3A = arith.constant 0 : index
    %get3A_0 = arith.constant 0 : index
    %get3A_1 = vector.load %arg1[%get3A, %get3A_0] : memref<128x128xf32, #tpu.memory_space<vmem>>, vector<128x128xf32>
    %get3A_2 = arith.constant 0 : index
    %get3A_3 = arith.constant 0 : index
    %get3A_4 = vector.load %arg2[%get3A_2, %get3A_3] : memref<128x128xf32, #tpu.memory_space<vmem>>, vector<128x128xf32>
    %add3A = arith.addf %get3A_1, %get3A_4 : vector<128x128xf32>
    %mul3A = arith.constant 128 : i32
    %mul3A_5 = arith.muli %arg0, %mul3A : i32
    %iota3A = tpu.iota {dimensions = array<i32: 0>} : vector<128x4096xi32>
    %add3A_6 = vector.broadcast %mul3A_5 : i32 to vector<128x4096xi32>
    %add3A_7 = arith.addi %add3A_6, %iota3A : vector<128x4096xi32>
    %get3A_8 = arith.constant 0 : index
    %get3A_9 = arith.constant 0 : index
    %get3A_10 = vector.load %arg3[%get3A_8, %get3A_9] : memref<1x4096xi32, #tpu.memory_space<vmem>>, vector<1x4096xi32>
    %eq3A = vector.broadcast %get3A_10 : vector<1x4096xi32> to vector<128x4096xi32>
    %eq3A_11 = arith.cmpi eq, %add3A_7, %eq3A : vector<128x4096xi32>
    %jit3A = arith.constant 1.000000e+00 : f32
    %jit3A_12 = arith.constant 0.000000e+00 : f32
    %broadcast_in_dim3A = vector.broadcast %jit3A : f32 to vector<128x4096xf32>
    %broadcast_in_dim3A_13 = vector.broadcast %jit3A_12 : f32 to vector<128x4096xf32>
    %select_n3A = arith.select %eq3A_11, %broadcast_in_dim3A, %broadcast_in_dim3A_13 : vector<128x4096xi1>, vector<128x4096xf32>
    %reduce_sum3A = arith.constant dense<0.000000e+00> : vector<128xf32>
    %reduce_sum3A_14 = vector.multi_reduction <add>, %select_n3A, %reduce_sum3A [1] : vector<128x4096xf32> to vector<128xf32>
    %broadcast_in_dim3A_15 = vector.shape_cast %reduce_sum3A_14 : vector<128xf32> to vector<128x1xf32>
    %mul3A_16 = arith.constant -0.0100503359 : f32
    %mul3A_17 = vector.broadcast %mul3A_16 : f32 to vector<128x1xf32>
    %mul3A_18 = arith.mulf %broadcast_in_dim3A_15, %mul3A_17 : vector<128x1xf32>
    %exp3A = math.exp %mul3A_18 : vector<128x1xf32>
    %get3A_19 = arith.constant 0 : index
    %get3A_20 = arith.constant 0 : index
    %get3A_21 = vector.load %arg4[%get3A_19, %get3A_20] : memref<128x128xf32, #tpu.memory_space<vmem>>, vector<128x128xf32>
    %mul3A_22 = vector.broadcast %exp3A : vector<128x1xf32> to vector<128x128xf32>
    %mul3A_23 = arith.mulf %get3A_21, %mul3A_22 : vector<128x128xf32>
    %add3A_24 = arith.addf %mul3A_23, %add3A : vector<128x128xf32>
    %mul3A_25 = arith.mulf %add3A_24, %add3A_24 : vector<128x128xf32>
    %reduce_sum3A_26 = arith.constant dense<0.000000e+00> : vector<128xf32>
    %reduce_sum3A_27 = vector.multi_reduction <add>, %mul3A_25, %reduce_sum3A_26 [1] : vector<128x128xf32> to vector<128xf32>
    %broadcast_in_dim3A_28 = vector.shape_cast %reduce_sum3A_27 : vector<128xf32> to vector<128x1xf32>
    %sqrt3A = math.sqrt %broadcast_in_dim3A_28 : vector<128x1xf32>
    %add3A_29 = arith.constant 9.99999996E-13 : f32
    %add3A_30 = vector.broadcast %add3A_29 : f32 to vector<128x1xf32>
    %add3A_31 = arith.addf %sqrt3A, %add3A_30 : vector<128x1xf32>
    %div3A = vector.broadcast %add3A_31 : vector<128x1xf32> to vector<128x128xf32>
    %div3A_32 = arith.divf %add3A_24, %div3A : vector<128x128xf32>
    %swap3A = arith.constant 0 : index
    %swap3A_33 = arith.constant 0 : index
    %swap3A_34 = vector.load %arg5[%swap3A, %swap3A_33] : memref<128x128xf32, #tpu.memory_space<vmem>>, vector<128x128xf32>
    tpu.vector_store %arg5[%swap3A, %swap3A_33], %div3A_32 {strides = array<i32>} : memref<128x128xf32, #tpu.memory_space<vmem>>, vector<128x128xf32>,
    return
  }
  func.func @transform_0(%arg0: i32) -> (i32, i32) {
    %c0_i32 = arith.constant 0 : i32
    %c0_i32_0 = arith.constant 0 : i32
    return %arg0, %c0_i32 : i32, i32
  }
  func.func @transform_1(%arg0: i32) -> (i32, i32) {
    %add3A = arith.constant 8 : i32
    %add3A_0 = arith.addi %arg0, %add3A : i32
    %c0_i32 = arith.constant 0 : i32
    %c0_i32_1 = arith.constant 0 : i32
    return %add3A_0, %c0_i32 : i32, i32
  }
  func.func @transform_2(%arg0: i32) -> (i32, i32) {
    %c0_i32 = arith.constant 0 : i32
    %c0_i32_0 = arith.constant 0 : i32
    %c0_i32_1 = arith.constant 0 : i32
    return %c0_i32, %c0_i32_0 : i32, i32
  }
  func.func @transform_3(%arg0: i32) -> (i32, i32) {
    %c0_i32 = arith.constant 0 : i32
    %c0_i32_0 = arith.constant 0 : i32
    return %arg0, %c0_i32 : i32, i32
  }
  func.func @transform_4(%arg0: i32) -> (i32, i32) {
    %c0_i32 = arith.constant 0 : i32
    %c0_i32_0 = arith.constant 0 : i32
    return %arg0, %c0_i32 : i32, i32
  }
}

</mosaic_0001>

<sc_bundles>
// kernel: kernel.6.cloned.1.call-start
scs
__scs_entry_jumppad:
0x0: {  	(pc) =	sbr.rel $0x88, $3  }
0x1: {  	(tag) =	ssettag $0x0;
	lr =	simm.s32 $0x1  }
0x2: {  	[smem:$0x3F9B] =	sst lr;
	_ =	strace $0xD0000000  }
0x3: {  	_ = 	snop  }
0x4: {  	_ = 	snop  }
0x5: {  	_ = 	snop  }
0x6: {  	_ = 	snop  }
0x7: {  	_ = 	snop  }
__scs_overlays_trampoline_lowered:
0x8: {  	[smem:$0x3FAA] =	sst s0  }
0x9: {  	[smem:$0x3FAB] =	sst s1  }
0xa: {  	[smem:$0x3FAC] =	sst s2  }
0xb: {  	[smem:$0x3FAD] =	sst s3  }
0xc: {  	[smem:$0x3FAE] =	sst s4  }
0xd: {  	[smem:$0x3FAF] =	sst s5  }
0xe: {  	[smem:$0x3FB0] =	sst s6  }
0xf: {  	[smem:$0x3FB1] =	sst s7  }
0x10: {  	[smem:$0x3FB2] =	sst s8  }
0x11: {  	[smem:$0x3FB3] =	sst s9;
	s0 =	simm.s32 @!p0 $0x0  }
0x12: {  	s1 =	sld [smem:$0x3F99];
	s0 =	simm.s32 @p0 $0x1  }
0x13: {  	[smem:$0x3FB4] =	sst s0;
	s0 =	simm.s32 @!p1 $0x0  }
0x14: {  	s2 =	sld [smem:$0x3F98];
	s0 =	simm.s32 @p1 $0x1  }
0x15: {  	[smem:$0x3FB5] =	sst s0;
	s0 =	simm.s32 @!p2 $0x0  }
0x16: {  	s3 =	sld [smem:$0x3FDB];
	s0 =	simm.s32 @p2 $0x1  }
0x17: {  	s4 =	simm.s32 $0x1BF5;
	[smem:$0x3FB7] =	sst s0  }
0x18: {  	s0 =	sld [smem:$0x3F9A];
	_ =	swait.ge [sflag:s4], $0x0  }
0x19: {  	s7 =	sld [smem:$0x3F9B]  }
0x1a: {  	s8 =	sadd.s32 $0xFFFFE003, lr  }
0x1b: {  	s9 =	sadd.s32 $0xFFFFFEF7, lr;
	s5 =	simm.s32 $0xFFFFFFFF;
	p2 =	slt.u32 s8, $0xFFFFF086  }
0x1c: {  	p1 =	slt.u32 s9, $0xF7A;
	s5 =	simm.s32 @!p2 $0x0  }
0x1d: {  	s5 =	simm.s32 @p1 $0x1;
	p0 =	seq.s32 s7, s2  }
0x1e: {  	s7 =	smul.u32 @!p0 $0xF7A, s2;
	p2 =	seq.s32 @!p0 s5, $0x0  }
0x1f: {  	s9 =	smul.u32 $0xF7A, s1;
	s8 =	simm.s32 @!p0 $0x1BF5;
	p2 =	por !p2, p0  }
0x20: {  	[sflag:s8] =	ssyncset.s32 @!p0 $0xFFFFF086;
	s6 =	sadd.s32 @!p0 s3, s7;
	s7 =	simm.s32 @!p0 $0x108  }
0x21: {  	s3 =	sadd.s32 s3, s9;
	s6 =	sadd.s32 @!p0 $0x88, s6;
	s7 =	simm.s32 @p2 $0x1082  }
0x22: {  	[simem:s7], [sflag:s8] =	dma.local @!p0 [hbm:s6], $0xF7A  }
0x23: {  	s9 =	sor.u32 $0xD0000000, s2;
	s6 =	simm.s32 $0x108;
	_ =	swait.ge @!p0 [sflag:s8], $0x0  }
0x24: {  	s3 =	sadd.s32 $0x88, s3;
	s6 =	simm.s32 @!p1 $0x1082;
	[sflag:s4] =	ssyncset.s32 $0xFFFFF086  }
0x25: {  	[simem:s6], [sflag:s4] =	dma.local [hbm:s3], $0xF7A  }
0x26: {  	[smem:$0x3F9B] =	sst s1;
	(tag) =	ssettag s2;
	_ =	strace s9  }
0x27: {  	s1 =	sld [smem:$0x3FAB]  }
0x28: {  	s2 =	sld [smem:$0x3FAC]  }
0x29: {  	s4 =	sld [smem:$0x3FAE]  }
0x2a: {  	p0 =	seq.s32 s5, $0x0;
	s5 =	sld [smem:$0x3FAF]  }
0x2b: {  	s6 =	sld [smem:$0x3FB0]  }
0x2c: {  	s7 =	sld [smem:$0x3FB1]  }
0x2d: {  	s3 =	simm.s32 $0x108;
	s8 =	sld [smem:$0x3FB2]  }
0x2e: {  	s3 =	simm.s32 @!p0 $0x1082;
	s9 =	sld [smem:$0x3FB3]  }
0x2f: {  	lr =	sadd.s32 s0, s3;
	s0 =	sld [smem:$0x3FAA]  }
0x30: {  	s3 =	sld [smem:$0x3FAD]  }
0x31: {  	[smem:$0x3FB6] =	sst s10  }
0x32: {  	s10 =	sld [smem:$0x3FB4];
	_ =	sdelay $0x3  }
0x33: {  	p0 =	seq.s32 s10, $0x1;
	s10 =	sld [smem:$0x3FB6];
	_ =	sdelay $0x3  }
0x34: {  	[smem:$0x3FB6] =	sst s10  }
0x35: {  	s10 =	sld [smem:$0x3FB5];
	_ =	sdelay $0x3  }
0x36: {  	p1 =	seq.s32 s10, $0x1;
	s10 =	sld [smem:$0x3FB6];
	_ =	sdelay $0x3  }
0x37: {  	[smem:$0x3FB6] =	sst s10  }
0x38: {  	s10 =	sld [smem:$0x3FB7]  }
0x39: {  	_ = 	snop;
	(pc) =	sbr.ind lr, $3  }
0x3a: {  	_ = 	snop  }
0x3b: {  	_ = 	snop  }
0x3c: {  	p2 =	seq.s32 s10, $0x1;
	s10 =	sld [smem:$0x3FB6]  }
0x3d: {  	_ =	shalt  }
0x3e: {  	_ =	shalt  }
0x3f: {  	_ =	shalt  }
0x40: {  	_ =	shalt  }
0x41: {  	_ =	shalt  }
0x42: {  	_ =	shalt  }
0x43: {  	_ =	shalt  }
0x44: {  	_ =	shalt  }
0x45: {  	_ =	shalt  }
0x46: {  	_ =	shalt  }
0x47: {  	_ =	shalt  }
0x48: {  	_ =	shalt  }
0x49: {  	_ =	shalt  }
0x4a: {  	_ =	shalt  }
0x4b: {  	_ =	shalt  }
0x4c: {  	_ =	shalt  }
0x4d: {  	_ =	shalt  }
0x4e: {  	_ =	shalt  }
0x4f: {  	_ =	shalt  }
0x50: {  	_ =	shalt  }
0x51: {  	_ =	shalt  }
0x52: {  	_ =	shalt  }
0x53: {  	_ =	shalt  }
0x54: {  	_ =	shalt  }
0x55: {  	_ =	shalt  }
0x56: {  	_ =	shalt  }
0x57: {  	_ =	shalt  }
0x58: {  	_ =	shalt  }
0x59: {  	_ =	shalt  }
0x5a: {  	_ =	shalt  }
0x5b: {  	_ =	shalt  }
0x5c: {  	_ =	shalt  }
0x5d: {  	_ =	shalt  }
0x5e: {  	_ =	shalt  }
0x5f: {  	_ =	shalt  }
0x60: {  	_ =	shalt  }
0x61: {  	_ =	shalt  }
0x62: {  	_ =	shalt  }
0x63: {  	_ =	shalt  }
0x64: {  	_ =	shalt  }
0x65: {  	_ =	shalt  }
0x66: {  	_ =	shalt  }
0x67: {  	_ =	shalt  }
0x68: {  	_ =	shalt  }
0x69: {  	_ =	shalt  }
0x6a: {  	_ =	shalt  }
0x6b: {  	_ =	shalt  }
0x6c: {  	_ =	shalt  }
0x6d: {  	_ =	shalt  }
0x6e: {  	_ =	shalt  }
0x6f: {  	_ =	shalt  }
0x70: {  	_ =	shalt  }
0x71: {  	_ =	shalt  }
0x72: {  	_ =	shalt  }
0x73: {  	_ =	shalt  }
0x74: {  	_ =	shalt  }
0x75: {  	_ =	shalt  }
0x76: {  	_ =	shalt  }
0x77: {  	_ =	shalt  }
0x78: {  	_ =	shalt  }
0x79: {  	_ =	shalt  }
0x7a: {  	_ =	shalt  }
0x7b: {  	_ =	shalt  }
0x7c: {  	_ =	shalt  }
0x7d: {  	_ =	shalt  }
0x7e: {  	_ =	shalt  }
0x7f: {  	_ =	shalt  }
0x80: {  	_ =	shalt  }
0x81: {  	_ =	shalt  }
0x82: {  	_ =	shalt  }
0x83: {  	_ =	shalt  }
0x84: {  	_ =	shalt  }
0x85: {  	_ =	shalt  }
0x86: {  	_ =	shalt  }
0x87: {  	_ =	shalt  }
.Lfunc_end0:
.L_simem_size_0:
called_computation_lowered:
.L_overlay_start_0:
0x88: {  	s2 =	sld [smem:$0x3FD9]  }
0x89: {  	s3 =	sld [smem:$0x3FFE];
	_ =	sdelay $0x1  }
0x8a: {  	s1 =	srdreg.scid  }
0x8b: {  	s0 =	sand.u32 $0x1, s1  }
0x8c: {  	s14 =	sshll.u32 s0, $0xA;
	s2 =	sadd.s32 s3, s2  }
0x8d: {  	s2 =	sadd.s32 s2, s14  }
0x8e: {  	[smem:$0x3FC2] =	sst s2  }
0x8f: {  	_ = 	snop  }
0x90: {  	s2 =	sld [smem:$0x3FD0];
	_ =	sdelay $0x2  }
0x91: {  	s15 =	simm.s32 $0xA;
	s4 =	simm.s32 $0x10  }
0x92: {  	[smem:s4], [sflag:s15] =	dma.local [hbm:s2], $0x1  }
0x93: {  	_ =	swait.eq [sflag:s15], $0x1  }
0x94: {  	[sflag:s15] =	ssyncset.done $0x0  }
0x95: {  	[sflag:s15] =	ssyncadd.s32 $0xFFFFFFFF  }
0x96: {  	s16 =	sld [smem:$0x12];
	(tm) =	ssettm $0x1  }
0x97: {  	s17 =	sld [smem:$0x3FFB];
	_ =	sdelay $0x3  }
0x98: {  	_ =	strace s17  }
0x99: {  	s3 =	sld [smem:$0x3FFC];
	_ =	sdelay $0x3  }
0x9a: {  	_ =	strace s3  }
0x9b: {  	s3 =	sld [smem:$0x3FFD];
	_ =	sdelay $0x3  }
0x9c: {  	_ =	strace s3  }
0x9d: {  	_ =	strace $0x8FFFFFFF  }
0x9e: {  	s18 =	sld [smem:$0x3FDB];
	_ =	sdelay $0x1  }
0x9f: {  	s19 =	simm.s32 $_scs_section_size  }
0xa0: {  	s5 =	simm.s32 $_size__tile_overlayer_lowered;
	s6 =	simm.s32 $_tile_overlayer_lowered  }
0xa1: {  	s22 =	simm.s32 $0x1BFF;
	s21 =	sshll.u32 s6, $0x1;
	s3 =	sadd.s32 s19, s18  }
0xa2: {  	s7 =	simm.s32 $0x0;
	s20 =	sshll.u32 s5, $0x1;
	s5 =	sadd.s32 s21, s3  }
0xa3: {  	[timem:s7], [sflag:s22] =	dma.local [hbm:s5], s20  }
0xa4: {  	_ =	swait.ge [sflag:s22], s20  }
0xa5: {  	s4 =	ssub.s32 $0x0, s20;
	[sflag:s22] =	ssyncset.done $0x0  }
0xa6: {  	[sflag:s22] =	ssyncadd.s32 s4;
	_ =	sdelay $0x1  }
0xa7: {  	s23 =	simm.s32 $0x1B8B  }
0xa8: {  	_ =	swait.ge [sflag:s23], $0x1  }
0xa9: {  	[sflag:s23] =	ssyncset.done $0x0  }
0xaa: {  	s25 =	simm.s32 $0x1B8E;
	s24 =	sld [smem:$0x3FFE];
	[sflag:s23] =	ssyncadd.s32 $0xFFFFFFFF  }
0xab: {  	s26 =	simm.s32 $execute0_lowered;
	[smem:$0x3FD2] =	sst s25  }
0xac: {  	s5 =	sshll.u32 s26, $0x1;
	_ =	strace $0x80000046;
	[dreg:$0x1] =	wrdreg $0xFFFFFFFF  }
0xad: {  	s28 =	simm.s32 $_size_execute0_lowered;
	s3 =	sadd.s32 s3, s5;
	[dreg:$0x0] =	wrdreg $0x0  }
0xae: {  	s5 =	sshll.u32 s28, $0x1;
	[dreg:$0x2] =	wrdreg s3  }
0xaf: {  	[dreg:$0x3] =	wrdreg s5  }
0xb0: {  	[dreg:$0x4] =	wrdreg $0xC0  }
0xb1: {  	_ =	task [dreg:s7], $0x5FFFF  }
0xb2: {  	[dreg:$0x1] =	wrdreg $0xFFFFFFFF  }
0xb3: {  	[dreg:$0x0] =	wrdreg $0x60  }
0xb4: {  	[dreg:$0x2] =	wrdreg s16  }
0xb5: {  	[dreg:$0x3] =	wrdreg s24  }
0xb6: {  	[dreg:$0x4] =	wrdreg $0x60800  }
0xb7: {  	[dreg:$0x5] =	wrdreg $0x9  }
0xb8: {  	_ =	task.clear_ibuf [dreg:s7], $0x6FFFF;
	_ =	strace $0x90000046  }
0xb9: {  	s29 =	simm.s32 $0x9;
	_ =	strace $0x80000048  }
0xba: {  	_ =	swait.ge [sflag:s29], $0x1  }
0xbb: {  	[sflag:s29] =	ssyncadd.s32 $0xFFFFFFFF  }
0xbc: {  	_ =	strace $0x90000048  }
0xbd: {  	_ =	sfence  }
0xbe: {  	s30 =	sld [smem:$0x0];
	_ =	sdelay $0x2  }
0xbf: {  	s31 =	sshll.u32 s1, $0xD;
	s1 =	sshrl.u32 s1, $0x2  }
0xc0: {  	s3 =	sand.u32 $0x4000, s31;
	s1 =	sadd.s32 s1, s30  }
0xc1: {  	s0 =	sor.u32 s3, s0;
	s1 =	sshll.u32 s1, $0x11  }
0xc2: {  	s0 =	sor.u32 s1, s0  }
0xc3: {  	s0 =	sadd.s32 $0x8F2B, s0  }
0xc4: {  	[sflag:s0] =	ssyncadd.remote.s32 $0x1  }
0xc5: {  	_ =	sfence.sel $0xFFFF  }
0xc6: {  	[dreg:$0x0] =	wrdreg $0xFFFFFFFF;
	(pc) =	sbr.abs _section_cstart, $3  }
0xc7: {  	[dreg:$0x1] =	wrdreg $0xFFFFFFFF  }
0xc8: {  	_ =	task.clear_ibuf [dreg:s7], $0x2FFFF;
	_ =	strace $0x9FFFFFFF  }
0xc9: {  	(tm) =	ssettm $0x7FFFFFFF  }
tec
execute0_lowered:
.L_overlay_start_1:
0x0: {  	(tag) =	ssettag $0x1  }
0x1: {  	s4 =	rddreg [dreg:$0x0]  }
0x2: {  	s5 =	rddreg [dreg:$0x1];
	s3 =	srdreg.scid  }
0x3: {  	s2 =	rddreg [dreg:$0x2];
	s1 =	stileid.u32;
	s13 =	sand.u32 $0x1, s3  }
0x4: {  	s0 =	rddreg [dreg:$0x3];
	s7 =	sshll.u32 s1, $0x7;
	s6 =	sshll.u32 s13, $0xB  }
0x5: {  	s3 =	simm.s32 $0x0;
	s8 =	sshll.u32 s1, $0xA;
	s6 =	sor.u32 s7, s6  }
0x6: {  	[smem:$0x7FF] =	sst s3;
	s7 =	sshll.u32 s6, $0x4;
	s6 =	sshrl.u32 s6, $0x3  }
0x7: {  	_ =	strace $0x80000047;
	s7 =	sadd.s32 s7, s5;
	s4 =	sadd.s32 s4, s6  }
0x8: {  	[tilespmem:s3], [sflag:$0x1] =	stream.linear.gather [hbm4b:s4+s3], $0x80, $0x38;
	[tilespmem:$0x8080] =	vst v63  }
0x9: {  	s14 =	sadd.s32 s8, s5;
	s6 =	simm.s32 $0x80;
	s5 =	sadd.s32 $0x102400, s7  }
0xa: {  	[tilespmem:s6], [sflag:$0x2] =	stream.linear.gather [hbm4b:s5+s3], $0x4000, $0x38;
	[tilespmem:$0x8080] =	vst v63  }
0xb: {  	s9 =	simm.s32 $0x4080;
	s8 =	simm.s32 $0x3;
	s7 =	sadd.s32 $0x112400, s14  }
0xc: {  	[tilespmem:s9], [sflag:$0x3] =	stream.linear.gather [hbm4b:s7+s3], $0x2000, $0x38;
	[tilespmem:$0x8080] =	vst v63  }
0xd: {  	_ =	swait.ge [sflag:s8], $0x2000  }
0xe: {  	s10 =	sshll.u32 s1, $0xD;
	[sflag:s8] =	ssyncset.done $0x0  }
0xf: {  	s10 =	sadd.s32 s10, s2;
	[sflag:s8] =	ssyncadd.s32 $0xFFFFE000  }
0x10: {  	[spmem:s10] =	stream.linear.scatter [tilespmem:s9], [sflag:$0x3], $0x2000, $0x38;
	[tilespmem:$0x8080] =	vst v63  }
0x11: {  	_ =	swait.ge [sflag:s8], $0x2000  }
0x12: {  	[sflag:s8] =	ssyncset.done $0x0  }
0x13: {  	[sflag:s8] =	ssyncadd.s32 $0xFFFFE000  }
0x14: {  	s11 =	simm.s32 $0x1;
	[bflag:$0x0] =	sbarrier.arrive $0xFFFF  }
0x15: {  	_ =	swait.ge [sflag:s11], $0x80  }
0x16: {  	[sflag:s11] =	ssyncset.done $0x0  }
0x17: {  	s12 =	simm.s32 $0x2;
	[sflag:s11] =	ssyncadd.s32 $0xFFFFFF80  }
0x18: {  	s15 =	ssub.s32 $0x2, s13;
	_ =	swait.ge [sflag:s12], $0x4000  }
0x19: {  	s16 =	sshrl.u32 s15, $0x1;
	[sflag:s12] =	ssyncset.done $0x0  }
0x1a: {  	s31 =	sshll.u32 s1, $0x6;
	s30 =	ssub.s32 s15, s16;
	[sflag:s12] =	ssyncadd.s32 $0xFFFFC000  }
0x1b: {  	[spmem:s2] =	stream.indirect.scatter.add.f32 [tilespmem:s6], [sflag:$0x3], $0x80, s3, s6, $0xb8;
	[tilespmem:$0x8080] =	vst v63  }
0x1c: {  	s13 =	sshll.u32 s13, $0xE;
	s16 =	smax.u32 s30, $0x1;
	_ =	swait.ge [sflag:s8], $0x4000  }
0x1d: {  	s13 =	sadd.s32 s13, s14;
	p0 =	sne.s32 s16, $0x1;
	[sflag:s8] =	ssyncset.done $0x0  }
.Ltmp0:
0x1e: {  	s13 =	sadd.s32 $0x116400, s13;
	[sflag:s8] =	ssyncadd.s32 $0xFFFFC000;
	(pc) =	sbr.rel @!p0 .LBB2_2-.Ltmp0, $4  }
0x1f: {  	s15 =	sshrl.u32 s10, $0x3;
	s14 =	sor.u32 $0x1C03, s31;
	[bflag:$0x0] =	sbarrier.arrive $0xFFFF  }
0x20: {  	[hbm:s13], [sflag:s14] =	dma.local [spmem:s15], $0x400  }
0x21: {  	_ =	swait.ge [sflag:s8], $0x400  }
0x22: {  	s16 =	sadd.s32 $0xFFFFFFFF, s16;
	[sflag:s8] =	ssyncset.done $0x0  }
.LBB2_1:
0x23: {  	p0 =	sne.s32 s16, $0x1;
	s16 =	sadd.s32 $0xFFFFFFFF, s16;
	[sflag:s8] =	ssyncadd.s32 $0xFFFFFC00  }
0x24: {  	[tilespmem:s3], [sflag:$0x1] =	stream.linear.gather [hbm4b:s4+s3], $0x80, $0x38;
	[tilespmem:$0x8080] =	vst v63  }
0x25: {  	_ = 	snop  }
0x26: {  	[tilespmem:s6], [sflag:$0x2] =	stream.linear.gather [hbm4b:s5+s3], $0x4000, $0x38;
	[tilespmem:$0x8080] =	vst v63  }
0x27: {  	_ = 	snop  }
0x28: {  	[tilespmem:s9], [sflag:$0x3] =	stream.linear.gather [hbm4b:s7+s3], $0x2000, $0x38;
	[tilespmem:$0x8080] =	vst v63  }
0x29: {  	_ =	swait.ge [sflag:s8], $0x2000  }
0x2a: {  	[sflag:s8] =	ssyncset.done $0x0  }
0x2b: {  	[sflag:s8] =	ssyncadd.s32 $0xFFFFE000  }
0x2c: {  	[spmem:s10] =	stream.linear.scatter [tilespmem:s9], [sflag:$0x3], $0x2000, $0x38;
	[tilespmem:$0x8080] =	vst v63  }
0x2d: {  	_ =	swait.ge [sflag:s8], $0x2000  }
0x2e: {  	[sflag:s8] =	ssyncset.done $0x0  }
0x2f: {  	[sflag:s8] =	ssyncadd.s32 $0xFFFFE000  }
0x30: {  	[bflag:$0x0] =	sbarrier.arrive $0xFFFF  }
0x31: {  	_ =	swait.ge [sflag:s11], $0x80  }
0x32: {  	[sflag:s11] =	ssyncset.done $0x0  }
0x33: {  	[sflag:s11] =	ssyncadd.s32 $0xFFFFFF80  }
0x34: {  	_ =	swait.ge [sflag:s12], $0x4000  }
0x35: {  	[sflag:s12] =	ssyncset.done $0x0  }
0x36: {  	[sflag:s12] =	ssyncadd.s32 $0xFFFFC000  }
0x37: {  	[spmem:s2] =	stream.indirect.scatter.add.f32 [tilespmem:s6], [sflag:$0x3], $0x80, s3, s6, $0xb8;
	[tilespmem:$0x8080] =	vst v63  }
0x38: {  	_ =	swait.ge [sflag:s8], $0x4000  }
0x39: {  	[sflag:s8] =	ssyncset.done $0x0  }
.Ltmp1:
0x3a: {  	[sflag:s8] =	ssyncadd.s32 $0xFFFFC000;
	(pc) =	sbr.rel @p0 .LBB2_1-.Ltmp1, $4  }
0x3b: {  	[bflag:$0x0] =	sbarrier.arrive $0xFFFF  }
0x3c: {  	[hbm:s13], [sflag:s14] =	dma.local [spmem:s15], $0x400  }
0x3d: {  	_ =	swait.ge [sflag:s8], $0x400  }
0x3e: {  	[sflag:s8] =	ssyncset.done $0x0  }
.LBB2_2:
0x3f: {  	[sflag:s8] =	ssyncadd.s32 $0xFFFFFC00  }
0x40: {  	_ =	sfence.sel $0x180000  }
0x41: {  	[bflag:$0x0] =	sbarrier.arrive $0xFFFF  }
0x42: {  	p0 =	sne.s32 s1, $0x0;
	_ =	strace $0x90000047  }
0x43: {  	s0 =	sadd.s32 @!p0 $0x100000, s0;
	[bflag:$0x2] =	sbarrier.arrive $0xFFFF  }
0x44: {  	[sflag:s0] =	ssyncadd.tile.s32 @!p0 $0x1;
	_ =	shalt  }
.Lfunc_end2:
_tile_overlayer_lowered:
.L_overlay_start_2:
0x45: {  	(tag) =	ssettag $0x2  }
0x46: {  	s0 =	rddreg [dreg:$0x0];
	s2 =	stileid.u32  }
0x47: {  	s1 =	rddreg [dreg:$0x1];
	p0 =	sne.s32 s2, $0x0  }
0x48: {  	s3 =	rddreg [dreg:$0x2];
	[bflag:$0x3] =	sbarrier.arrive $0xFFFF;
	s2 =	simm.s32 @!p0 $0x1C03  }
0x49: {  	[timem:s3], [sflag:s2] =	dma.local @!p0 [hbm:s0], s1  }
0x4a: {  	s0 =	simm.s32 @!p0 $0x3  }
0x4b: {  	_ =	swait.ge @!p0 [sflag:s0], s1  }
0x4c: {  	s1 =	ssub.s32 @!p0 $0x0, s1;
	[sflag:s0] =	ssyncset.done @!p0 $0x0  }
0x4d: {  	[sflag:s0] =	ssyncadd.s32 @!p0 s1  }
0x4e: {  	[bflag:$0x3] =	sbarrier.arrive $0xFFFF  }
0x4f: {  	_ =	shalt  }

</sc_bundles>
